<compile_context>
chip_gen: v7x
topology: tpu7x:2x2x1
jax: 0.10.2.dev20260603
libtpu: 0.0.44.dev20260713+nightly
codegen_flags: <defaults>
</compile_context>

<pallas_src>
import functools

import jax
import jax.numpy as jnp
from jax import lax
from jax.experimental import pallas as pl
from jax.experimental.pallas import tpu as pltpu
from jax.experimental.pallas import tpu_sc as plsc

KEY_CHUNK = 10000
SEQ_TILE = 512
PAD_B = 32


def _sc_gather_body(idx_hbm, val_hbm, cv_hbm, idx_v, rows_v, sem):
    wid = lax.axis_index("s") * 2 + lax.axis_index("c")

    @pl.when(wid == 0)
    def _():
        pltpu.sync_copy(idx_hbm, idx_v)
        pltpu.async_copy(val_hbm.at[idx_v], rows_v, sem).wait()
        pltpu.sync_copy(rows_v, cv_hbm)


def _query_body(x_ref, ew1_ref, eb1_ref, ew2_ref, eb2_ref, q_ref):
    xb = x_ref[0]
    S = xb.shape[0]
    ne = xb[:-1, :] != xb[1:, :]
    rowne = jnp.any(ne, axis=1, keepdims=True)
    j = lax.broadcasted_iota(jnp.int32, (S - 1, 1), 0) + 1
    cand = jnp.where(rowne, j, S + 7)
    first = jnp.min(cand)
    first = jnp.where(first >= S + 7, 0, first)
    first = jnp.where(first == 1, 0, first)
    pos = lax.broadcasted_iota(jnp.int32, (S, 1), 0)
    m = pos >= first
    cnt = (S - first).astype(jnp.float32)
    brow = jnp.sum(jnp.where(m, xb, 0.0), axis=0, keepdims=True) / cnt
    h = lax.dot_general(brow, ew1_ref[...], (((1,), (0,)), ((), ())),
                        preferred_element_type=jnp.float32) + eb1_ref[...]
    h = jnp.maximum(h, 0.0)
    q = lax.dot_general(h, ew2_ref[...], (((1,), (0,)), ((), ())),
                        preferred_element_type=jnp.float32) + eb2_ref[...]
    q_ref[0] = q


def _knn_body(k_ref, q_ref, bd2_ref, bidx_ref):
    ci = pl.program_id(0)
    keys = k_ref[...]
    q = q_ref[:, 0, :]
    chunk = keys.shape[0]
    n_total = pl.num_programs(0) * chunk
    ones = jnp.ones((1, keys.shape[1]), jnp.float32)
    kn_t = lax.dot_general(ones, keys * keys, (((1,), (1,)), ((), ())),
                           preferred_element_type=jnp.float32)
    qn = jnp.sum(q * q, axis=1)[:, None]
    cross_t = lax.dot_general(q, keys, (((1,), (1,)), ((), ())),
                              preferred_element_type=jnp.float32)
    d2 = jnp.maximum(kn_t + qn - 2.0 * cross_t, 0.0)
    mdt = jnp.min(d2, axis=1, keepdims=True)
    cols = lax.broadcasted_iota(jnp.int32, d2.shape, 1) + ci * chunk
    midxt = jnp.min(jnp.where(d2 == mdt, cols, n_total), axis=1,
                    keepdims=True)
    md = mdt.T
    midx = midxt.T

    @pl.when(ci == 0)
    def _():
        bd2_ref[...] = md
        bidx_ref[...] = midx

    @pl.when(ci > 0)
    def _():
        old = bd2_ref[...]
        better = md < old
        bd2_ref[...] = jnp.where(better, md, old)
        bidx_ref[...] = jnp.where(better, midx, bidx_ref[...])


def _out_body(idx_ref, x_ref, w_ref, b_ref, v_ref, e_ref, bd2_ref, o_ref):
    bb = pl.program_id(0)
    xt = x_ref[0].astype(jnp.bfloat16)
    yt = lax.dot_general(xt, w_ref[...], (((1,), (1,)), ((), ())),
                         preferred_element_type=jnp.float32) + b_ref[...]
    dist = jnp.sqrt(jnp.maximum(bd2_ref[0, bb], 0.0))
    lane = idx_ref[bb] % 128
    liota = lax.broadcasted_iota(jnp.int32, (1, 128), 1)
    eps1 = jnp.sum(jnp.where(liota == lane, e_ref[...][None, :], 0.0),
                   axis=1, keepdims=True)
    cond1 = dist <= eps1
    riota = lax.broadcasted_iota(jnp.int32, (8, 1), 0)
    vrow = jnp.sum(jnp.where(riota == bb, v_ref[...], 0.0),
                   axis=0, keepdims=True)
    o_ref[0] = jnp.where(cond1, vrow, yt)


def kernel(x, W, b, ew1, eb1, ew2, eb2, keys_store, values, epsilons):
    B, S, D = x.shape
    ENC = ew1.shape[1]
    N = keys_store.shape[0]
    n_chunks = N // KEY_CHUNK
    assert n_chunks * KEY_CHUNK == N

    query = pl.pallas_call(
        _query_body,
        grid=(B,),
        in_specs=[
            pl.BlockSpec((1, S, D), lambda i: (i, 0, 0)),
            pl.BlockSpec((D, ENC), lambda i: (0, 0)),
            pl.BlockSpec((1, ENC), lambda i: (0, 0)),
            pl.BlockSpec((ENC, ENC), lambda i: (0, 0)),
            pl.BlockSpec((1, ENC), lambda i: (0, 0)),
        ],
        out_specs=pl.BlockSpec((1, 1, ENC), lambda i: (i, 0, 0)),
        out_shape=jax.ShapeDtypeStruct((B, 1, ENC), jnp.float32),
    )(x, ew1, eb1.reshape(1, ENC), ew2, eb2.reshape(1, ENC))

    bd2, bidx = pl.pallas_call(
        _knn_body,
        grid=(n_chunks,),
        in_specs=[
            pl.BlockSpec((KEY_CHUNK, ENC), lambda i: (i, 0)),
            pl.BlockSpec((B, 1, ENC), lambda i: (0, 0, 0)),
        ],
        out_specs=[
            pl.BlockSpec((1, B), lambda i: (0, 0)),
            pl.BlockSpec((1, B), lambda i: (0, 0)),
        ],
        out_shape=[
            jax.ShapeDtypeStruct((1, B), jnp.float32),
            jax.ShapeDtypeStruct((1, B), jnp.int32),
        ],
    )(keys_store, query)

    idx = bidx.reshape(B)
    idxp = jnp.pad(idx, (0, PAD_B - B))

    sc_gather = functools.partial(
        pl.kernel,
        out_type=jax.ShapeDtypeStruct((PAD_B, D), jnp.float32),
        mesh=plsc.VectorSubcoreMesh(core_axis_name="c", subcore_axis_name="s"),
        scratch_types=[
            pltpu.VMEM((PAD_B,), jnp.int32),
            pltpu.VMEM((PAD_B, D), jnp.float32),
            pltpu.SemaphoreType.DMA,
        ],
    )(_sc_gather_body)
    cv = sc_gather(idxp, values)

    out = pl.pallas_call(
        _out_body,
        grid_spec=pltpu.PrefetchScalarGridSpec(
            num_scalar_prefetch=1,
            grid=(B, S // SEQ_TILE),
            in_specs=[
                pl.BlockSpec((1, SEQ_TILE, D), lambda bb, ss, idx: (bb, ss, 0)),
                pl.BlockSpec((D, D), lambda bb, ss, idx: (0, 0)),
                pl.BlockSpec((1, D), lambda bb, ss, idx: (0, 0)),
                pl.BlockSpec((8, D), lambda bb, ss, idx: (0, 0)),
                pl.BlockSpec((128,), lambda bb, ss, idx: (idx[bb] // 128,)),
                pl.BlockSpec(memory_space=pltpu.SMEM),
            ],
            out_specs=pl.BlockSpec((1, SEQ_TILE, D), lambda bb, ss, idx: (bb, ss, 0)),
        ),
        out_shape=jax.ShapeDtypeStruct((B, S, D), jnp.float32),
    )(idx, x, W.astype(jnp.bfloat16), b.reshape(1, D), cv, epsilons, bd2)
    return out

# --- scband reference (transcript-rebuilt; emitter-appended) ---
"""Pipeline reference for scband-agrace-87144886436441 (READ-ONLY COPY).

The authoritative reference and input builder live on the scoring server;
editing this copy changes nothing except your own understanding.
"""

import jax, jax.numpy as jnp
import numpy as np

B, S, D = 4, 2048, 1024
N_KEYS, ENC_DIM = 100000, 256
INIT_EPS = 10.0

def setup_inputs(seed: int = 0) -> dict:
    key = jax.random.key(seed)
    ks = jax.random.split(key, 10)
    x = jax.random.normal(ks[0], (B, S, D), dtype=jnp.float32)
    W = jax.random.normal(ks[1], (D, D), dtype=jnp.float32) * 0.02
    b = jnp.zeros((D,), dtype=jnp.float32)
    ew1 = jax.random.normal(ks[2], (D, ENC_DIM), dtype=jnp.float32) * 0.02
    eb1 = jnp.zeros((ENC_DIM,), dtype=jnp.float32)
    ew2 = jax.random.normal(ks[3], (ENC_DIM, ENC_DIM), dtype=jnp.float32) * 0.02
    eb2 = jnp.zeros((ENC_DIM,), dtype=jnp.float32)
    keys_store = jax.random.normal(ks[4], (N_KEYS, ENC_DIM), dtype=jnp.float32)
    values = jax.random.normal(ks[5], (N_KEYS, D), dtype=jnp.float32) * 0.02
    epsilons = jnp.full((N_KEYS,), INIT_EPS, dtype=jnp.float32)
    return {"x": x, "W": W, "b": b, "ew1": ew1, "eb1": eb1, "ew2": ew2, "eb2": eb2,
            "keys_store": keys_store, "values": values, "epsilons": epsilons}

def reference(x, W, b, ew1, eb1, ew2, eb2, keys_store, values, epsilons):
    # wrapped linear layer (torch nn.Linear semantics: y = x @ W.T + b)
    layer_out = jnp.einsum('bsd,od->bso', x, W) + b
    token_to_edit = x.shape[1] - 1
    # per-batch first_diff_pos: first j>=1 where hs[j-1] != hs[j]; if none -> 0; if ==1 -> 0
    eq = jnp.all(x[:, :-1, :] == x[:, 1:, :], axis=-1)  # [B, S-1]
    neq = jnp.logical_not(eq)
    first = jnp.argmax(neq.astype(jnp.int32), axis=1) + 1
    has = jnp.any(neq, axis=1)
    first = jnp.where(has, first, 0)
    first = jnp.where(first == 1, 0, first)
    pos = jnp.arange(x.shape[1])
    mask = (pos[None, :] >= first[:, None]) & (pos[None, :] <= token_to_edit)  # [B, S]
    cnt = mask.sum(axis=1).astype(x.dtype)
    batches = (x * mask[:, :, None]).sum(axis=1) / cnt[:, None]  # [B, D]
    # MLP encoder: Linear(D, 256) -> ReLU -> Linear(256, 256)
    h = jax.nn.relu(batches @ ew1 + eb1)
    query = h @ ew2 + eb2  # [B, ENC_DIM]
    # cdist(keys, query, p=2) -> [N, B] via ||k||^2 + ||q||^2 - 2 k.q
    kn = jnp.sum(keys_store * keys_store, axis=1)
    qn = jnp.sum(query * query, axis=1)
    d2 = kn[:, None] + qn[None, :] - 2.0 * (keys_store @ query.T)
    dists = jnp.sqrt(jnp.maximum(d2, 0.0))  # [N, B]
    smallest_dist = jnp.min(dists, axis=0)  # [B]
    chosen_key = jnp.argmin(dists, axis=0)  # [B]
    chosen_value = jnp.take(values, chosen_key, axis=0)  # [B, D]
    eps = jnp.take(epsilons, chosen_key, axis=0)  # [B]
    cond = (smallest_dist <= eps)
    # replacement == 'replace_all'
    out = jnp.where(cond[:, None, None], chosen_value[:, None, :], layer_out)
    return out

if __name__ == "__main__":
    import jax
    _d = setup_inputs()
    print(jax.jit(kernel)(*tuple(_d.values())))

</pallas_src>

<mosaic_0001>
#map = affine_map<(d0, d1) -> (0)>
#map1 = affine_map<(d0, d1) -> (0, 0)>
module attributes {stable_mosaic.version = 14 : i64} {
  func.func @_sc_gather_body(%arg0: i32, %arg1: i32, %arg2: memref<32xi32, #tpu.memory_space<hbm>>, %arg3: memref<100000x1024xf32, #tpu.memory_space<hbm>>, %arg4: memref<32x1024xf32, #tpu.memory_space<hbm>>, %arg5: memref<32xi32, #tpu.memory_space<vmem>>, %arg6: memref<32x1024xf32, #tpu.memory_space<vmem>>, %arg7: memref<!tpu.dma_semaphore, #tpu.memory_space<semaphore_mem>>) attributes {dimension_semantics = [#tpu.dimension_semantics<core_parallel>, #tpu.dimension_semantics<subcore_parallel>], iteration_bounds = array<i64: 2, 16>, scalar_prefetch = 0 : i64, scratch_operands = 3 : i64, tpu.core_type = #tpu.core_type<sc_vector_subcore>, window_params = [{transform_indices = #map}, {transform_indices = #map1}, {transform_indices = #map1}]} {
    %mul3A = arith.constant 2 : i32
    %mul3A_0 = arith.muli %arg1, %mul3A : i32
    %add3A = arith.addi %mul3A_0, %arg0 : i32
    %eq3A = arith.constant 0 : i32
    %eq3A_1 = arith.cmpi eq, %add3A, %eq3A : i32
    %convert_element_type3A = arith.extui %eq3A_1 : i1 to i32
    %cond3A = arith.constant 0 : i32
    %cond3A_2 = arith.cmpi ne, %convert_element_type3A, %cond3A : i32
    scf.if %cond3A_2 {
      "tpu.region"() ({
        %run_scoped3A = tpu.sem_alloc : memref<!tpu.dma_semaphore, #tpu.memory_space<semaphore_mem>>
        tpu.enqueue_dma source(%arg2 : memref<32xi32, #tpu.memory_space<hbm>>) target(%arg5 : memref<32xi32, #tpu.memory_space<vmem>>) target_semaphore(%run_scoped3A : memref<!tpu.dma_semaphore, #tpu.memory_space<semaphore_mem>>)
        tpu.wait_dma2 semaphore(%run_scoped3A : memref<!tpu.dma_semaphore, #tpu.memory_space<semaphore_mem>>) src(%arg2 : memref<32xi32, #tpu.memory_space<hbm>>) dst(%arg5 : memref<32xi32, #tpu.memory_space<vmem>>)
        tpu.yield
      }) : () -> ()
      %dma_start3A = arith.constant 0 : i32
      %dma_start3A_3 = arith.constant 0 : i32
      %dma_start3A_4 = tpu.memref_slice %arg3[%dma_start3A, %dma_start3A_3] : memref<100000x1024xf32, #tpu.memory_space<hbm>> -> memref<100000x1024xf32, #tpu.memory_space<hbm>>
      tpu.enqueue_indirect_dma source(%dma_start3A_4 : memref<100000x1024xf32, #tpu.memory_space<hbm>>) target(%arg6 : memref<32x1024xf32, #tpu.memory_space<vmem>>) offsets(%arg5 : memref<32xi32, #tpu.memory_space<vmem>>) semaphore(%arg7 : memref<!tpu.dma_semaphore, #tpu.memory_space<semaphore_mem>>)
      %dma_wait3A = arith.constant 0 : i32
      %dma_wait3A_5 = arith.constant 0 : i32
      %dma_wait3A_6 = tpu.memref_slice %arg3[%dma_wait3A, %dma_wait3A_5] : memref<100000x1024xf32, #tpu.memory_space<hbm>> -> memref<100000x1024xf32, #tpu.memory_space<hbm>>
      tpu.wait_indirect_dma semaphore(%arg7 : memref<!tpu.dma_semaphore, #tpu.memory_space<semaphore_mem>>) src(%dma_wait3A_6 : memref<100000x1024xf32, #tpu.memory_space<hbm>>) dst(%arg6 : memref<32x1024xf32, #tpu.memory_space<vmem>>)
      "tpu.region"() ({
        %run_scoped3A = tpu.sem_alloc : memref<!tpu.dma_semaphore, #tpu.memory_space<semaphore_mem>>
        tpu.enqueue_dma source(%arg6 : memref<32x1024xf32, #tpu.memory_space<vmem>>) target(%arg4 : memref<32x1024xf32, #tpu.memory_space<hbm>>) target_semaphore(%run_scoped3A : memref<!tpu.dma_semaphore, #tpu.memory_space<semaphore_mem>>)
        tpu.wait_dma2 semaphore(%run_scoped3A : memref<!tpu.dma_semaphore, #tpu.memory_space<semaphore_mem>>) src(%arg6 : memref<32x1024xf32, #tpu.memory_space<vmem>>) dst(%arg4 : memref<32x1024xf32, #tpu.memory_space<hbm>>)
        tpu.yield
      }) : () -> ()
    } else {
    }
    return
  }
}

module attributes {stable_mosaic.version = 14 : i64} {
  func.func @_query_body(%arg0: i32, %arg1: memref<1x2048x1024xf32, #tpu.memory_space<vmem>>, %arg2: memref<1024x256xf32, #tpu.memory_space<vmem>>, %arg3: memref<1x256xf32, #tpu.memory_space<vmem>>, %arg4: memref<256x256xf32, #tpu.memory_space<vmem>>, %arg5: memref<1x256xf32, #tpu.memory_space<vmem>>, %arg6: memref<1x1x256xf32, #tpu.memory_space<vmem>>) attributes {dimension_semantics = [#tpu.dimension_semantics<arbitrary>], iteration_bounds = array<i64: 4>, scalar_prefetch = 0 : i64, scratch_operands = 0 : i64, tpu.core_type = #tpu.core_type<tc>, window_params = [{transform_indices = @transform_0, window_bounds = array<i64: 1, 2048, 1024>}, {pipeline_mode = #tpu.pipeline_mode<synchronous>, transform_indices = @transform_1, window_bounds = array<i64: 1024, 256>}, {pipeline_mode = #tpu.pipeline_mode<synchronous>, transform_indices = @transform_2, window_bounds = array<i64: 1, 256>}, {pipeline_mode = #tpu.pipeline_mode<synchronous>, transform_indices = @transform_3, window_bounds = array<i64: 256, 256>}, {pipeline_mode = #tpu.pipeline_mode<synchronous>, transform_indices = @transform_4, window_bounds = array<i64: 1, 256>}, {transform_indices = @transform_5, window_bounds = array<i64: 1, 1, 256>}]} {
    %get3A = arith.constant 0 : index
    %get3A_0 = arith.constant 0 : index
    %get3A_1 = arith.constant 0 : index
    %get3A_2 = vector.load %arg1[%get3A, %get3A_0, %get3A_1] : memref<1x2048x1024xf32, #tpu.memory_space<vmem>>, vector<1x2048x1024xf32>
    %get3A_3 = vector.shape_cast %get3A_2 : vector<1x2048x1024xf32> to vector<2048x1024xf32>
    %slice3A = vector.extract_strided_slice %get3A_3 {offsets = [0, 0], sizes = [2047, 1024], strides = [1, 1]} : vector<2048x1024xf32> to vector<2047x1024xf32>
    %slice3A_4 = vector.extract_strided_slice %get3A_3 {offsets = [1, 0], sizes = [2047, 1024], strides = [1, 1]} : vector<2048x1024xf32> to vector<2047x1024xf32>
    %ne3A = arith.cmpf one, %slice3A, %slice3A_4 : vector<2047x1024xf32>
    %reduce_or3A = arith.constant 1.000000e+00 : f32
    %reduce_or3A_5 = arith.constant 0.000000e+00 : f32
    %reduce_or3A_6 = vector.broadcast %reduce_or3A : f32 to vector<2047x1024xf32>
    %reduce_or3A_7 = vector.broadcast %reduce_or3A_5 : f32 to vector<2047x1024xf32>
    %reduce_or3A_8 = arith.select %ne3A, %reduce_or3A_6, %reduce_or3A_7 : vector<2047x1024xi1>, vector<2047x1024xf32>
    %reduce_or3A_9 = arith.constant dense<0xFF800000> : vector<2047xf32>
    %reduce_or3A_10 = vector.multi_reduction <maximumf>, %reduce_or3A_8, %reduce_or3A_9 [1] : vector<2047x1024xf32> to vector<2047xf32>
    %reduce_or3A_11 = arith.constant 0.000000e+00 : f32
    %reduce_or3A_12 = vector.broadcast %reduce_or3A_11 : f32 to vector<2047xf32>
    %reduce_or3A_13 = arith.cmpf ogt, %reduce_or3A_10, %reduce_or3A_12 : vector<2047xf32>
    %broadcast_in_dim3A = vector.shape_cast %reduce_or3A_13 : vector<2047xi1> to vector<2047x1xi1>
    %iota3A = tpu.iota {dimensions = array<i32: 0>} : vector<2047x1xi32>
    %add3A = arith.constant 1 : i32
    %add3A_14 = vector.broadcast %add3A : i32 to vector<2047x1xi32>
    %add3A_15 = arith.addi %iota3A, %add3A_14 : vector<2047x1xi32>
    %jit3A = arith.constant 2055 : i32
    %broadcast_in_dim3A_16 = vector.broadcast %jit3A : i32 to vector<2047x1xi32>
    %select_n3A = arith.select %broadcast_in_dim3A, %add3A_15, %broadcast_in_dim3A_16 : vector<2047x1xi1>, vector<2047x1xi32>
    %reduce_min3A = vector.shape_cast %select_n3A : vector<2047x1xi32> to vector<1x2047x1xi32>
    %reduce_min3A_17 = arith.constant dense<2147483647> : vector<1xi32>
    %reduce_min3A_18 = vector.multi_reduction <minsi>, %reduce_min3A, %reduce_min3A_17 [1, 2] : vector<1x2047x1xi32> to vector<1xi32>
    %reduce_min3A_19 = vector.shape_cast %reduce_min3A_18 : vector<1xi32> to vector<1x1x1xi32>
    %reduce_min3A_20 = vector.extract %reduce_min3A_19[0, 0, 0] : i32 from vector<1x1x1xi32>
    %ge3A = arith.constant 2055 : i32
    %ge3A_21 = arith.cmpi sge, %reduce_min3A_20, %ge3A : i32
    %jit3A_22 = arith.constant 0 : i32
    %select_n3A_23 = arith.select %ge3A_21, %jit3A_22, %reduce_min3A_20 : i32
    %eq3A = arith.constant 1 : i32
    %eq3A_24 = arith.cmpi eq, %select_n3A_23, %eq3A : i32
    %jit3A_25 = arith.constant 0 : i32
    %select_n3A_26 = arith.select %eq3A_24, %jit3A_25, %select_n3A_23 : i32
    %iota3A_27 = tpu.iota {dimensions = array<i32: 0>} : vector<2048x1xi32>
    %ge3A_28 = vector.broadcast %select_n3A_26 : i32 to vector<2048x1xi32>
    %ge3A_29 = arith.cmpi sge, %iota3A_27, %ge3A_28 : vector<2048x1xi32>
    %sub3A = arith.constant 2048 : i32
    %sub3A_30 = arith.subi %sub3A, %select_n3A_26 : i32
    %convert_element_type3A = arith.sitofp %sub3A_30 : i32 to f32
    %jit3A_31 = arith.constant 0.000000e+00 : f32
    %broadcast_in_dim3A_32 = vector.shape_cast %ge3A_29 : vector<2048x1xi1> to vector<2048x1xi1>
    %broadcast_in_dim3A_33 = vector.broadcast %broadcast_in_dim3A_32 : vector<2048x1xi1> to vector<2048x1024xi1>
    %broadcast_in_dim3A_34 = vector.broadcast %jit3A_31 : f32 to vector<2048x1024xf32>
    %select_n3A_35 = arith.select %broadcast_in_dim3A_33, %get3A_3, %broadcast_in_dim3A_34 : vector<2048x1024xi1>, vector<2048x1024xf32>
    %reduce_sum3A = arith.constant dense<0.000000e+00> : vector<1024xf32>
    %reduce_sum3A_36 = vector.multi_reduction <add>, %select_n3A_35, %reduce_sum3A [0] : vector<2048x1024xf32> to vector<1024xf32>
    %broadcast_in_dim3A_37 = vector.shape_cast %reduce_sum3A_36 : vector<1024xf32> to vector<1x1024xf32>
    %div3A = vector.broadcast %convert_element_type3A : f32 to vector<1x1024xf32>
    %div3A_38 = arith.divf %broadcast_in_dim3A_37, %div3A : vector<1x1024xf32>
    %get3A_39 = arith.constant 0 : index
    %get3A_40 = arith.constant 0 : index
    %get3A_41 = vector.load %arg2[%get3A_39, %get3A_40] : memref<1024x256xf32, #tpu.memory_space<vmem>>, vector<1024x256xf32>
    %dot_general3A = arith.constant dense<0.000000e+00> : vector<1x256xf32>
    %dot_general3A_42 = tpu.matmul %div3A_38, %get3A_41, %dot_general3A {dimension_numbers = #tpu.dot_dimension_numbers<[1], [0], [0], [1], [0, 0, 1, 1], [], []>, transpose_lhs_hint = false} : vector<1x1024xf32>, vector<1024x256xf32>, vector<1x256xf32> -> vector<1x256xf32>
    %get3A_43 = arith.constant 0 : index
    %get3A_44 = arith.constant 0 : index
    %get3A_45 = vector.load %arg3[%get3A_43, %get3A_44] : memref<1x256xf32, #tpu.memory_space<vmem>>, vector<1x256xf32>
    %add3A_46 = arith.addf %dot_general3A_42, %get3A_45 : vector<1x256xf32>
    %max3A = arith.constant 0.000000e+00 : f32
    %max3A_47 = vector.broadcast %max3A : f32 to vector<1x256xf32>
    %max3A_48 = arith.maximumf %add3A_46, %max3A_47 : vector<1x256xf32>
    %get3A_49 = arith.constant 0 : index
    %get3A_50 = arith.constant 0 : index
    %get3A_51 = vector.load %arg4[%get3A_49, %get3A_50] : memref<256x256xf32, #tpu.memory_space<vmem>>, vector<256x256xf32>
    %dot_general3A_52 = arith.constant dense<0.000000e+00> : vector<1x256xf32>
    %dot_general3A_53 = tpu.matmul %max3A_48, %get3A_51, %dot_general3A_52 {dimension_numbers = #tpu.dot_dimension_numbers<[1], [0], [0], [1], [0, 0, 1, 1], [], []>, transpose_lhs_hint = false} : vector<1x256xf32>, vector<256x256xf32>, vector<1x256xf32> -> vector<1x256xf32>
    %get3A_54 = arith.constant 0 : index
    %get3A_55 = arith.constant 0 : index
    %get3A_56 = vector.load %arg5[%get3A_54, %get3A_55] : memref<1x256xf32, #tpu.memory_space<vmem>>, vector<1x256xf32>
    %add3A_57 = arith.addf %dot_general3A_53, %get3A_56 : vector<1x256xf32>
    %swap3A = arith.constant 0 : index
    %swap3A_58 = arith.constant 0 : index
    %swap3A_59 = arith.constant 0 : index
    %swap3A_60 = vector.load %arg6[%swap3A, %swap3A_58, %swap3A_59] : memref<1x1x256xf32, #tpu.memory_space<vmem>>, vector<1x1x256xf32>
    %swap3A_61 = vector.shape_cast %swap3A_60 : vector<1x1x256xf32> to vector<1x256xf32>
    %swap3A_62 = vector.shape_cast %add3A_57 : vector<1x256xf32> to vector<1x1x256xf32>
    tpu.vector_store %arg6[%swap3A, %swap3A_58, %swap3A_59], %swap3A_62 {strides = array<i32>} : memref<1x1x256xf32, #tpu.memory_space<vmem>>, vector<1x1x256xf32>,
    return
  }
  func.func @transform_0(%arg0: i32) -> (i32, i32, i32) {
    %c0_i32 = arith.constant 0 : i32
    %c0_i32_0 = arith.constant 0 : i32
    %c0_i32_1 = arith.constant 0 : i32
    return %arg0, %c0_i32, %c0_i32_0 : i32, i32, i32
  }
  func.func @transform_1(%arg0: i32) -> (i32, i32) {
    %c0_i32 = arith.constant 0 : i32
    %c0_i32_0 = arith.constant 0 : i32
    %c0_i32_1 = arith.constant 0 : i32
    return %c0_i32, %c0_i32_0 : i32, i32
  }
  func.func @transform_2(%arg0: i32) -> (i32, i32) {
    %c0_i32 = arith.constant 0 : i32
    %c0_i32_0 = arith.constant 0 : i32
    %c0_i32_1 = arith.constant 0 : i32
    return %c0_i32, %c0_i32_0 : i32, i32
  }
  func.func @transform_3(%arg0: i32) -> (i32, i32) {
    %c0_i32 = arith.constant 0 : i32
    %c0_i32_0 = arith.constant 0 : i32
    %c0_i32_1 = arith.constant 0 : i32
    return %c0_i32, %c0_i32_0 : i32, i32
  }
  func.func @transform_4(%arg0: i32) -> (i32, i32) {
    %c0_i32 = arith.constant 0 : i32
    %c0_i32_0 = arith.constant 0 : i32
    %c0_i32_1 = arith.constant 0 : i32
    return %c0_i32, %c0_i32_0 : i32, i32
  }
  func.func @transform_5(%arg0: i32) -> (i32, i32, i32) {
    %c0_i32 = arith.constant 0 : i32
    %c0_i32_0 = arith.constant 0 : i32
    %c0_i32_1 = arith.constant 0 : i32
    return %arg0, %c0_i32, %c0_i32_0 : i32, i32, i32
  }
}

module attributes {stable_mosaic.version = 14 : i64} {
  func.func @_knn_body(%arg0: i32, %arg1: memref<10000x256xf32, #tpu.memory_space<vmem>>, %arg2: memref<4x1x256xf32, #tpu.memory_space<vmem>>, %arg3: memref<1x4xf32, #tpu.memory_space<vmem>>, %arg4: memref<1x4xi32, #tpu.memory_space<vmem>>) attributes {dimension_semantics = [#tpu.dimension_semantics<arbitrary>], iteration_bounds = array<i64: 10>, scalar_prefetch = 0 : i64, scratch_operands = 0 : i64, tpu.core_type = #tpu.core_type<tc>, window_params = [{transform_indices = @transform_0, window_bounds = array<i64: 10000, 256>}, {pipeline_mode = #tpu.pipeline_mode<synchronous>, transform_indices = @transform_1, window_bounds = array<i64: 4, 1, 256>}, {pipeline_mode = #tpu.pipeline_mode<synchronous>, transform_indices = @transform_2, window_bounds = array<i64: 1, 4>}, {pipeline_mode = #tpu.pipeline_mode<synchronous>, transform_indices = @transform_3, window_bounds = array<i64: 1, 4>}]} {
    %get3A = arith.constant 0 : index
    %get3A_0 = arith.constant 0 : index
    %get3A_1 = vector.load %arg1[%get3A, %get3A_0] : memref<10000x256xf32, #tpu.memory_space<vmem>>, vector<10000x256xf32>
    %get3A_2 = arith.constant 0 : index
    %get3A_3 = arith.constant 0 : index
    %get3A_4 = arith.constant 0 : index
    %get3A_5 = vector.load %arg2[%get3A_2, %get3A_3, %get3A_4] : memref<4x1x256xf32, #tpu.memory_space<vmem>>, vector<4x1x256xf32>
    %get3A_6 = vector.shape_cast %get3A_5 : vector<4x1x256xf32> to vector<4x256xf32>
    %broadcast_in_dim3A = arith.constant 1.000000e+00 : f32
    %broadcast_in_dim3A_7 = vector.broadcast %broadcast_in_dim3A : f32 to vector<1x256xf32>
    %mul3A = arith.mulf %get3A_1, %get3A_1 : vector<10000x256xf32>
    %dot_general3A = arith.constant dense<0.000000e+00> : vector<1x10000xf32>
    %dot_general3A_8 = tpu.matmul %broadcast_in_dim3A_7, %mul3A, %dot_general3A {dimension_numbers = #tpu.dot_dimension_numbers<[1], [1], [0], [0], [0, 0, 1, 0], [], []>, transpose_lhs_hint = false} : vector<1x256xf32>, vector<10000x256xf32>, vector<1x10000xf32> -> vector<1x10000xf32>
    %mul3A_9 = arith.mulf %get3A_6, %get3A_6 : vector<4x256xf32>
    %reduce_sum3A = arith.constant dense<0.000000e+00> : vector<4xf32>
    %reduce_sum3A_10 = vector.multi_reduction <add>, %mul3A_9, %reduce_sum3A [1] : vector<4x256xf32> to vector<4xf32>
    %broadcast_in_dim3A_11 = vector.shape_cast %reduce_sum3A_10 : vector<4xf32> to vector<4x1xf32>
    %dot_general3A_12 = arith.constant dense<0.000000e+00> : vector<4x10000xf32>
    %dot_general3A_13 = tpu.matmul %get3A_6, %get3A_1, %dot_general3A_12 {dimension_numbers = #tpu.dot_dimension_numbers<[1], [1], [0], [0], [0, 0, 1, 0], [], []>, transpose_lhs_hint = false} : vector<4x256xf32>, vector<10000x256xf32>, vector<4x10000xf32> -> vector<4x10000xf32>
    %add3A = vector.broadcast %dot_general3A_8 : vector<1x10000xf32> to vector<4x10000xf32>
    %add3A_14 = vector.broadcast %broadcast_in_dim3A_11 : vector<4x1xf32> to vector<4x10000xf32>
    %add3A_15 = arith.addf %add3A, %add3A_14 : vector<4x10000xf32>
    %mul3A_16 = arith.constant 2.000000e+00 : f32
    %mul3A_17 = vector.broadcast %mul3A_16 : f32 to vector<4x10000xf32>
    %mul3A_18 = arith.mulf %mul3A_17, %dot_general3A_13 : vector<4x10000xf32>
    %sub3A = arith.subf %add3A_15, %mul3A_18 : vector<4x10000xf32>
    %max3A = arith.constant 0.000000e+00 : f32
    %max3A_19 = vector.broadcast %max3A : f32 to vector<4x10000xf32>
    %max3A_20 = arith.maximumf %sub3A, %max3A_19 : vector<4x10000xf32>
    %reduce_min3A = arith.constant dense<0x7F800000> : vector<4xf32>
    %reduce_min3A_21 = vector.multi_reduction <minimumf>, %max3A_20, %reduce_min3A [1] : vector<4x10000xf32> to vector<4xf32>
    %broadcast_in_dim3A_22 = vector.shape_cast %reduce_min3A_21 : vector<4xf32> to vector<4x1xf32>
    %iota3A = tpu.iota {dimensions = array<i32: 1>} : vector<4x10000xi32>
    %mul3A_23 = arith.constant 10000 : i32
    %mul3A_24 = arith.muli %arg0, %mul3A_23 : i32
    %add3A_25 = vector.broadcast %mul3A_24 : i32 to vector<4x10000xi32>
    %add3A_26 = arith.addi %iota3A, %add3A_25 : vector<4x10000xi32>
    %eq3A = vector.broadcast %broadcast_in_dim3A_22 : vector<4x1xf32> to vector<4x10000xf32>
    %eq3A_27 = arith.cmpf oeq, %max3A_20, %eq3A : vector<4x10000xf32>
    %jit3A = arith.constant 100000 : i32
    %broadcast_in_dim3A_28 = vector.broadcast %jit3A : i32 to vector<4x10000xi32>
    %select_n3A = arith.select %eq3A_27, %add3A_26, %broadcast_in_dim3A_28 : vector<4x10000xi1>, vector<4x10000xi32>
    %reduce_min3A_29 = arith.constant dense<2147483647> : vector<4xi32>
    %reduce_min3A_30 = vector.multi_reduction <minsi>, %select_n3A, %reduce_min3A_29 [1] : vector<4x10000xi32> to vector<4xi32>
    %broadcast_in_dim3A_31 = vector.shape_cast %reduce_min3A_30 : vector<4xi32> to vector<4x1xi32>
    %transpose3A = tpu.transpose %broadcast_in_dim3A_22, [1, 0] : vector<4x1xf32> -> vector<1x4xf32>
    %transpose3A_32 = tpu.transpose %broadcast_in_dim3A_31, [1, 0] : vector<4x1xi32> -> vector<1x4xi32>
    %eq3A_33 = arith.constant 0 : i32
    %eq3A_34 = arith.cmpi eq, %arg0, %eq3A_33 : i32
    %convert_element_type3A = arith.extui %eq3A_34 : i1 to i32
    %cond3A = arith.constant 0 : i32
    %cond3A_35 = arith.cmpi ne, %convert_element_type3A, %cond3A : i32
    scf.if %cond3A_35 {
      %swap3A = arith.constant 0 : index
      %swap3A_40 = arith.constant 0 : index
      %swap3A_41 = vector.load %arg3[%swap3A, %swap3A_40] : memref<1x4xf32, #tpu.memory_space<vmem>>, vector<1x4xf32>
      tpu.vector_store %arg3[%swap3A, %swap3A_40], %transpose3A {strides = array<i32>} : memref<1x4xf32, #tpu.memory_space<vmem>>, vector<1x4xf32>,
      %swap3A_42 = arith.constant 0 : index
      %swap3A_43 = arith.constant 0 : index
      %swap3A_44 = vector.load %arg4[%swap3A_42, %swap3A_43] : memref<1x4xi32, #tpu.memory_space<vmem>>, vector<1x4xi32>
      tpu.vector_store %arg4[%swap3A_42, %swap3A_43], %transpose3A_32 {strides = array<i32>} : memref<1x4xi32, #tpu.memory_space<vmem>>, vector<1x4xi32>,
    } else {
    }
    %gt3A = arith.constant 0 : i32
    %gt3A_36 = arith.cmpi sgt, %arg0, %gt3A : i32
    %convert_element_type3A_37 = arith.extui %gt3A_36 : i1 to i32
    %cond3A_38 = arith.constant 0 : i32
    %cond3A_39 = arith.cmpi ne, %convert_element_type3A_37, %cond3A_38 : i32
    scf.if %cond3A_39 {
      %get3A_40 = arith.constant 0 : index
      %get3A_41 = arith.constant 0 : index
      %get3A_42 = vector.load %arg3[%get3A_40, %get3A_41] : memref<1x4xf32, #tpu.memory_space<vmem>>, vector<1x4xf32>
      %lt3A = arith.cmpf olt, %transpose3A, %get3A_42 : vector<1x4xf32>
      %select_n3A_43 = arith.select %lt3A, %transpose3A, %get3A_42 : vector<1x4xi1>, vector<1x4xf32>
      %swap3A = arith.constant 0 : index
      %swap3A_44 = arith.constant 0 : index
      %swap3A_45 = vector.load %arg3[%swap3A, %swap3A_44] : memref<1x4xf32, #tpu.memory_space<vmem>>, vector<1x4xf32>
      tpu.vector_store %arg3[%swap3A, %swap3A_44], %select_n3A_43 {strides = array<i32>} : memref<1x4xf32, #tpu.memory_space<vmem>>, vector<1x4xf32>,
      %get3A_46 = arith.constant 0 : index
      %get3A_47 = arith.constant 0 : index
      %get3A_48 = vector.load %arg4[%get3A_46, %get3A_47] : memref<1x4xi32, #tpu.memory_space<vmem>>, vector<1x4xi32>
      %select_n3A_49 = arith.select %lt3A, %transpose3A_32, %get3A_48 : vector<1x4xi1>, vector<1x4xi32>
      %swap3A_50 = arith.constant 0 : index
      %swap3A_51 = arith.constant 0 : index
      %swap3A_52 = vector.load %arg4[%swap3A_50, %swap3A_51] : memref<1x4xi32, #tpu.memory_space<vmem>>, vector<1x4xi32>
      tpu.vector_store %arg4[%swap3A_50, %swap3A_51], %select_n3A_49 {strides = array<i32>} : memref<1x4xi32, #tpu.memory_space<vmem>>, vector<1x4xi32>,
    } else {
    }
    return
  }
  func.func @transform_0(%arg0: i32) -> (i32, i32) {
    %c0_i32 = arith.constant 0 : i32
    %c0_i32_0 = arith.constant 0 : i32
    return %arg0, %c0_i32 : i32, i32
  }
  func.func @transform_1(%arg0: i32) -> (i32, i32, i32) {
    %c0_i32 = arith.constant 0 : i32
    %c0_i32_0 = arith.constant 0 : i32
    %c0_i32_1 = arith.constant 0 : i32
    %c0_i32_2 = arith.constant 0 : i32
    return %c0_i32, %c0_i32_0, %c0_i32_1 : i32, i32, i32
  }
  func.func @transform_2(%arg0: i32) -> (i32, i32) {
    %c0_i32 = arith.constant 0 : i32
    %c0_i32_0 = arith.constant 0 : i32
    %c0_i32_1 = arith.constant 0 : i32
    return %c0_i32, %c0_i32_0 : i32, i32
  }
  func.func @transform_3(%arg0: i32) -> (i32, i32) {
    %c0_i32 = arith.constant 0 : i32
    %c0_i32_0 = arith.constant 0 : i32
    %c0_i32_1 = arith.constant 0 : i32
    return %c0_i32, %c0_i32_0 : i32, i32
  }
}

module attributes {stable_mosaic.version = 14 : i64} {
  func.func @_out_body(%arg0: i32, %arg1: i32, %arg2: memref<4xi32, #tpu.memory_space<smem>>, %arg3: memref<1x512x1024xf32, #tpu.memory_space<vmem>>, %arg4: memref<1024x1024xbf16, #tpu.memory_space<vmem>>, %arg5: memref<1x1024xf32, #tpu.memory_space<vmem>>, %arg6: memref<8x1024xf32, #tpu.memory_space<vmem>>, %arg7: memref<128xf32, #tpu.memory_space<vmem>>, %arg8: memref<1x4xf32, #tpu.memory_space<smem>>, %arg9: memref<1x512x1024xf32, #tpu.memory_space<vmem>>) attributes {dimension_semantics = [#tpu.dimension_semantics<arbitrary>, #tpu.dimension_semantics<arbitrary>], iteration_bounds = array<i64: 4, 4>, scalar_prefetch = 1 : i64, scratch_operands = 0 : i64, tpu.core_type = #tpu.core_type<tc>, window_params = [{transform_indices = @transform_0, window_bounds = array<i64: 1, 512, 1024>}, {pipeline_mode = #tpu.pipeline_mode<synchronous>, transform_indices = @transform_1, window_bounds = array<i64: 1024, 1024>}, {pipeline_mode = #tpu.pipeline_mode<synchronous>, transform_indices = @transform_2, window_bounds = array<i64: 1, 1024>}, {transform_indices = @transform_3, window_bounds = array<i64: 8, 1024>}, {transform_indices = @transform_4, window_bounds = array<i64: 128>}, {transform_indices = @transform_5, window_bounds = array<i64: 1, 4>}, {transform_indices = @transform_6, window_bounds = array<i64: 1, 512, 1024>}]} {
    %get3A = arith.constant 0 : index
    %get3A_0 = arith.constant 0 : index
    %get3A_1 = arith.constant 0 : index
    %get3A_2 = vector.load %arg3[%get3A, %get3A_0, %get3A_1] : memref<1x512x1024xf32, #tpu.memory_space<vmem>>, vector<1x512x1024xf32>
    %get3A_3 = vector.shape_cast %get3A_2 : vector<1x512x1024xf32> to vector<512x1024xf32>
    %convert_element_type3A = arith.truncf %get3A_3 : vector<512x1024xf32> to vector<512x1024xbf16>
    %get3A_4 = arith.constant 0 : index
    %get3A_5 = arith.constant 0 : index
    %get3A_6 = vector.load %arg4[%get3A_4, %get3A_5] : memref<1024x1024xbf16, #tpu.memory_space<vmem>>, vector<1024x1024xbf16>
    %dot_general3A = arith.constant dense<0.000000e+00> : vector<512x1024xf32>
    %dot_general3A_7 = tpu.matmul %convert_element_type3A, %get3A_6, %dot_general3A {dimension_numbers = #tpu.dot_dimension_numbers<[1], [1], [0], [0], [0, 0, 1, 0], [], []>, transpose_lhs_hint = false} : vector<512x1024xbf16>, vector<1024x1024xbf16>, vector<512x1024xf32> -> vector<512x1024xf32>
    %get3A_8 = arith.constant 0 : index
    %get3A_9 = arith.constant 0 : index
    %get3A_10 = vector.load %arg5[%get3A_8, %get3A_9] : memref<1x1024xf32, #tpu.memory_space<vmem>>, vector<1x1024xf32>
    %add3A = vector.broadcast %get3A_10 : vector<1x1024xf32> to vector<512x1024xf32>
    %add3A_11 = arith.addf %dot_general3A_7, %add3A : vector<512x1024xf32>
    %get3A_12 = arith.constant 0 : index
    %get3A_13 = arith.index_cast %arg0 : i32 to index
    %get3A_14 = memref.load %arg8[%get3A_12, %get3A_13] : memref<1x4xf32, #tpu.memory_space<smem>>
    %max3A = arith.constant 0.000000e+00 : f32
    %max3A_15 = arith.maximumf %get3A_14, %max3A : f32
    %sqrt3A = math.sqrt %max3A_15 : f32
    %get3A_16 = arith.index_cast %arg0 : i32 to index
    %get3A_17 = memref.load %arg2[%get3A_16] : memref<4xi32, #tpu.memory_space<smem>>
    %jit3A = arith.constant 128 : i32
    %eq3A = arith.constant 0 : i32
    %eq3A_18 = arith.cmpi eq, %jit3A, %eq3A : i32
    %jit3A_19 = arith.constant 1 : i32
    %select_n3A = arith.select %eq3A_18, %jit3A_19, %jit3A : i32
    %rem3A = arith.remsi %get3A_17, %select_n3A : i32
    %ne3A = arith.constant 0 : i32
    %ne3A_20 = arith.cmpi ne, %rem3A, %ne3A : i32
    %lt3A = arith.constant 0 : i32
    %lt3A_21 = arith.cmpi slt, %rem3A, %lt3A : i32
    %lt3A_22 = arith.constant 0 : i32
    %lt3A_23 = arith.cmpi slt, %select_n3A, %lt3A_22 : i32
    %ne3A_24 = arith.xori %lt3A_21, %lt3A_23 : i1
    %and3A = arith.andi %ne3A_24, %ne3A_20 : i1
    %add3A_25 = arith.addi %rem3A, %select_n3A : i32
    %select_n3A_26 = arith.select %and3A, %add3A_25, %rem3A : i32
    %iota3A = tpu.iota {dimensions = array<i32: 1>} : vector<1x128xi32>
    %eq3A_27 = vector.broadcast %select_n3A_26 : i32 to vector<1x128xi32>
    %eq3A_28 = arith.cmpi eq, %iota3A, %eq3A_27 : vector<1x128xi32>
    %get3A_29 = arith.constant 0 : index
    %get3A_30 = vector.load %arg7[%get3A_29] : memref<128xf32, #tpu.memory_space<vmem>>, vector<128xf32>
    %broadcast_in_dim3A = vector.shape_cast %get3A_30 : vector<128xf32> to vector<1x128xf32>
    %jit3A_31 = arith.constant 0.000000e+00 : f32
    %broadcast_in_dim3A_32 = vector.broadcast %jit3A_31 : f32 to vector<1x128xf32>
    %select_n3A_33 = arith.select %eq3A_28, %broadcast_in_dim3A, %broadcast_in_dim3A_32 : vector<1x128xi1>, vector<1x128xf32>
    %reduce_sum3A = arith.constant dense<0.000000e+00> : vector<1xf32>
    %reduce_sum3A_34 = vector.multi_reduction <add>, %select_n3A_33, %reduce_sum3A [1] : vector<1x128xf32> to vector<1xf32>
    %broadcast_in_dim3A_35 = vector.shape_cast %reduce_sum3A_34 : vector<1xf32> to vector<1x1xf32>
    %le3A = vector.broadcast %sqrt3A : f32 to vector<1x1xf32>
    %le3A_36 = arith.cmpf ole, %le3A, %broadcast_in_dim3A_35 : vector<1x1xf32>
    %iota3A_37 = tpu.iota {dimensions = array<i32: 0>} : vector<8x1xi32>
    %eq3A_38 = vector.broadcast %arg0 : i32 to vector<8x1xi32>
    %eq3A_39 = arith.cmpi eq, %iota3A_37, %eq3A_38 : vector<8x1xi32>
    %get3A_40 = arith.constant 0 : index
    %get3A_41 = arith.constant 0 : index
    %get3A_42 = vector.load %arg6[%get3A_40, %get3A_41] : memref<8x1024xf32, #tpu.memory_space<vmem>>, vector<8x1024xf32>
    %jit3A_43 = arith.constant 0.000000e+00 : f32
    %broadcast_in_dim3A_44 = vector.shape_cast %eq3A_39 : vector<8x1xi1> to vector<8x1xi1>
    %broadcast_in_dim3A_45 = vector.broadcast %broadcast_in_dim3A_44 : vector<8x1xi1> to vector<8x1024xi1>
    %broadcast_in_dim3A_46 = vector.broadcast %jit3A_43 : f32 to vector<8x1024xf32>
    %select_n3A_47 = arith.select %broadcast_in_dim3A_45, %get3A_42, %broadcast_in_dim3A_46 : vector<8x1024xi1>, vector<8x1024xf32>
    %reduce_sum3A_48 = arith.constant dense<0.000000e+00> : vector<1024xf32>
    %reduce_sum3A_49 = vector.multi_reduction <add>, %select_n3A_47, %reduce_sum3A_48 [0] : vector<8x1024xf32> to vector<1024xf32>
    %broadcast_in_dim3A_50 = vector.shape_cast %reduce_sum3A_49 : vector<1024xf32> to vector<1x1024xf32>
    %broadcast_in_dim3A_51 = vector.shape_cast %le3A_36 : vector<1x1xi1> to vector<1x1xi1>
    %broadcast_in_dim3A_52 = vector.broadcast %broadcast_in_dim3A_51 : vector<1x1xi1> to vector<512x1024xi1>
    %broadcast_in_dim3A_53 = vector.shape_cast %broadcast_in_dim3A_50 : vector<1x1024xf32> to vector<1x1024xf32>
    %broadcast_in_dim3A_54 = vector.broadcast %broadcast_in_dim3A_53 : vector<1x1024xf32> to vector<512x1024xf32>
    %select_n3A_55 = arith.select %broadcast_in_dim3A_52, %broadcast_in_dim3A_54, %add3A_11 : vector<512x1024xi1>, vector<512x1024xf32>
    %swap3A = arith.constant 0 : index
    %swap3A_56 = arith.constant 0 : index
    %swap3A_57 = arith.constant 0 : index
    %swap3A_58 = vector.load %arg9[%swap3A, %swap3A_56, %swap3A_57] : memref<1x512x1024xf32, #tpu.memory_space<vmem>>, vector<1x512x1024xf32>
    %swap3A_59 = vector.shape_cast %swap3A_58 : vector<1x512x1024xf32> to vector<512x1024xf32>
    %swap3A_60 = vector.shape_cast %select_n3A_55 : vector<512x1024xf32> to vector<1x512x1024xf32>
    tpu.vector_store %arg9[%swap3A, %swap3A_56, %swap3A_57], %swap3A_60 {strides = array<i32>} : memref<1x512x1024xf32, #tpu.memory_space<vmem>>, vector<1x512x1024xf32>,
    return
  }
  func.func @transform_0(%arg0: i32, %arg1: i32, %arg2: memref<4xi32, #tpu.memory_space<smem>>) -> (i32, i32, i32) {
    %c0_i32 = arith.constant 0 : i32
    %c0_i32_0 = arith.constant 0 : i32
    return %arg0, %arg1, %c0_i32 : i32, i32, i32
  }
  func.func @transform_1(%arg0: i32, %arg1: i32, %arg2: memref<4xi32, #tpu.memory_space<smem>>) -> (i32, i32) {
    %c0_i32 = arith.constant 0 : i32
    %c0_i32_0 = arith.constant 0 : i32
    %c0_i32_1 = arith.constant 0 : i32
    return %c0_i32, %c0_i32_0 : i32, i32
  }
  func.func @transform_2(%arg0: i32, %arg1: i32, %arg2: memref<4xi32, #tpu.memory_space<smem>>) -> (i32, i32) {
    %c0_i32 = arith.constant 0 : i32
    %c0_i32_0 = arith.constant 0 : i32
    %c0_i32_1 = arith.constant 0 : i32
    return %c0_i32, %c0_i32_0 : i32, i32
  }
  func.func @transform_3(%arg0: i32, %arg1: i32, %arg2: memref<4xi32, #tpu.memory_space<smem>>) -> (i32, i32) {
    %c0_i32 = arith.constant 0 : i32
    %c0_i32_0 = arith.constant 0 : i32
    %c0_i32_1 = arith.constant 0 : i32
    return %c0_i32, %c0_i32_0 : i32, i32
  }
  func.func @transform_4(%arg0: i32, %arg1: i32, %arg2: memref<4xi32, #tpu.memory_space<smem>>) -> i32 {
    %get3A = arith.index_cast %arg0 : i32 to index
    %get3A_0 = memref.load %arg2[%get3A] : memref<4xi32, #tpu.memory_space<smem>>
    %jit3A = arith.constant 128 : i32
    %div3A = arith.divsi %get3A_0, %jit3A : i32
    %sign3A = arith.constant 0 : i32
    %sign3A_1 = arith.cmpi sgt, %get3A_0, %sign3A : i32
    %sign3A_2 = arith.extui %sign3A_1 : i1 to i32
    %sign3A_3 = arith.constant 0 : i32
    %sign3A_4 = arith.cmpi slt, %get3A_0, %sign3A_3 : i32
    %sign3A_5 = arith.extui %sign3A_4 : i1 to i32
    %sign3A_6 = arith.subi %sign3A_2, %sign3A_5 : i32
    %sign3A_7 = arith.constant 0 : i32
    %sign3A_8 = arith.cmpi sgt, %jit3A, %sign3A_7 : i32
    %sign3A_9 = arith.extui %sign3A_8 : i1 to i32
    %sign3A_10 = arith.constant 0 : i32
    %sign3A_11 = arith.cmpi slt, %jit3A, %sign3A_10 : i32
    %sign3A_12 = arith.extui %sign3A_11 : i1 to i32
    %sign3A_13 = arith.subi %sign3A_9, %sign3A_12 : i32
    %ne3A = arith.cmpi ne, %sign3A_6, %sign3A_13 : i32
    %rem3A = arith.remsi %get3A_0, %jit3A : i32
    %ne3A_14 = arith.constant 0 : i32
    %ne3A_15 = arith.cmpi ne, %rem3A, %ne3A_14 : i32
    %and3A = arith.andi %ne3A, %ne3A_15 : i1
    %sub3A = arith.constant 1 : i32
    %sub3A_16 = arith.subi %div3A, %sub3A : i32
    %select_n3A = arith.select %and3A, %sub3A_16, %div3A : i32
    %c0_i32 = arith.constant 0 : i32
    return %select_n3A : i32
  }
  func.func @transform_5(%arg0: i32, %arg1: i32, %arg2: memref<4xi32, #tpu.memory_space<smem>>) -> (i32, i32) {
    %c0_i32 = arith.constant 0 : i32
    %c0_i32_0 = arith.constant 0 : i32
    %c0_i32_1 = arith.constant 0 : i32
    return %c0_i32, %c0_i32_0 : i32, i32
  }
  func.func @transform_6(%arg0: i32, %arg1: i32, %arg2: memref<4xi32, #tpu.memory_space<smem>>) -> (i32, i32, i32) {
    %c0_i32 = arith.constant 0 : i32
    %c0_i32_0 = arith.constant 0 : i32
    return %arg0, %arg1, %c0_i32 : i32, i32, i32
  }
}

</mosaic_0001>

<sc_bundles>
// kernel: kernel.6.cloned.1.call-start
scs
__scs_entry_jumppad:
0x0: {  	(pc) =	sbr.rel $0x88, $3  }
0x1: {  	(tag) =	ssettag $0x0;
	lr =	simm.s32 $0x1  }
0x2: {  	[smem:$0x3F97] =	sst lr;
	_ =	strace $0xD0000000  }
0x3: {  	_ = 	snop  }
0x4: {  	_ = 	snop  }
0x5: {  	_ = 	snop  }
0x6: {  	_ = 	snop  }
0x7: {  	_ = 	snop  }
__scs_overlays_trampoline_lowered:
0x8: {  	[smem:$0x3FA6] =	sst s0  }
0x9: {  	[smem:$0x3FA7] =	sst s1  }
0xa: {  	[smem:$0x3FA8] =	sst s2  }
0xb: {  	[smem:$0x3FA9] =	sst s3  }
0xc: {  	[smem:$0x3FAA] =	sst s4  }
0xd: {  	[smem:$0x3FAB] =	sst s5  }
0xe: {  	[smem:$0x3FAC] =	sst s6  }
0xf: {  	[smem:$0x3FAD] =	sst s7  }
0x10: {  	[smem:$0x3FAE] =	sst s8  }
0x11: {  	[smem:$0x3FAF] =	sst s9;
	s0 =	simm.s32 @!p0 $0x0  }
0x12: {  	s1 =	sld [smem:$0x3F95];
	s0 =	simm.s32 @p0 $0x1  }
0x13: {  	[smem:$0x3FB0] =	sst s0;
	s0 =	simm.s32 @!p1 $0x0  }
0x14: {  	s2 =	sld [smem:$0x3F94];
	s0 =	simm.s32 @p1 $0x1  }
0x15: {  	[smem:$0x3FB1] =	sst s0;
	s0 =	simm.s32 @!p2 $0x0  }
0x16: {  	s3 =	sld [smem:$0x3FDB];
	s0 =	simm.s32 @p2 $0x1  }
0x17: {  	s4 =	simm.s32 $0x1BF5;
	[smem:$0x3FB3] =	sst s0  }
0x18: {  	s0 =	sld [smem:$0x3F96];
	_ =	swait.ge [sflag:s4], $0x0  }
0x19: {  	s7 =	sld [smem:$0x3F97]  }
0x1a: {  	s8 =	sadd.s32 $0xFFFFE003, lr  }
0x1b: {  	s9 =	sadd.s32 $0xFFFFFEF7, lr;
	s5 =	simm.s32 $0xFFFFFFFF;
	p2 =	slt.u32 s8, $0xFFFFF086  }
0x1c: {  	p1 =	slt.u32 s9, $0xF7A;
	s5 =	simm.s32 @!p2 $0x0  }
0x1d: {  	s5 =	simm.s32 @p1 $0x1;
	p0 =	seq.s32 s7, s2  }
0x1e: {  	s7 =	smul.u32 @!p0 $0xF7A, s2;
	p2 =	seq.s32 @!p0 s5, $0x0  }
0x1f: {  	s9 =	smul.u32 $0xF7A, s1;
	s8 =	simm.s32 @!p0 $0x1BF5;
	p2 =	por !p2, p0  }
0x20: {  	[sflag:s8] =	ssyncset.s32 @!p0 $0xFFFFF086;
	s6 =	sadd.s32 @!p0 s3, s7;
	s7 =	simm.s32 @!p0 $0x108  }
0x21: {  	s3 =	sadd.s32 s3, s9;
	s6 =	sadd.s32 @!p0 $0x88, s6;
	s7 =	simm.s32 @p2 $0x1082  }
0x22: {  	[simem:s7], [sflag:s8] =	dma.local @!p0 [hbm:s6], $0xF7A  }
0x23: {  	s9 =	sor.u32 $0xD0000000, s2;
	s6 =	simm.s32 $0x108;
	_ =	swait.ge @!p0 [sflag:s8], $0x0  }
0x24: {  	s3 =	sadd.s32 $0x88, s3;
	s6 =	simm.s32 @!p1 $0x1082;
	[sflag:s4] =	ssyncset.s32 $0xFFFFF086  }
0x25: {  	[simem:s6], [sflag:s4] =	dma.local [hbm:s3], $0xF7A  }
0x26: {  	[smem:$0x3F97] =	sst s1;
	(tag) =	ssettag s2;
	_ =	strace s9  }
0x27: {  	s1 =	sld [smem:$0x3FA7]  }
0x28: {  	s2 =	sld [smem:$0x3FA8]  }
0x29: {  	s4 =	sld [smem:$0x3FAA]  }
0x2a: {  	p0 =	seq.s32 s5, $0x0;
	s5 =	sld [smem:$0x3FAB]  }
0x2b: {  	s6 =	sld [smem:$0x3FAC]  }
0x2c: {  	s7 =	sld [smem:$0x3FAD]  }
0x2d: {  	s3 =	simm.s32 $0x108;
	s8 =	sld [smem:$0x3FAE]  }
0x2e: {  	s3 =	simm.s32 @!p0 $0x1082;
	s9 =	sld [smem:$0x3FAF]  }
0x2f: {  	lr =	sadd.s32 s0, s3;
	s0 =	sld [smem:$0x3FA6]  }
0x30: {  	s3 =	sld [smem:$0x3FA9]  }
0x31: {  	[smem:$0x3FB2] =	sst s10  }
0x32: {  	s10 =	sld [smem:$0x3FB0];
	_ =	sdelay $0x3  }
0x33: {  	p0 =	seq.s32 s10, $0x1;
	s10 =	sld [smem:$0x3FB2];
	_ =	sdelay $0x3  }
0x34: {  	[smem:$0x3FB2] =	sst s10  }
0x35: {  	s10 =	sld [smem:$0x3FB1];
	_ =	sdelay $0x3  }
0x36: {  	p1 =	seq.s32 s10, $0x1;
	s10 =	sld [smem:$0x3FB2];
	_ =	sdelay $0x3  }
0x37: {  	[smem:$0x3FB2] =	sst s10  }
0x38: {  	s10 =	sld [smem:$0x3FB3]  }
0x39: {  	_ = 	snop;
	(pc) =	sbr.ind lr, $3  }
0x3a: {  	_ = 	snop  }
0x3b: {  	_ = 	snop  }
0x3c: {  	p2 =	seq.s32 s10, $0x1;
	s10 =	sld [smem:$0x3FB2]  }
0x3d: {  	_ =	shalt  }
0x3e: {  	_ =	shalt  }
0x3f: {  	_ =	shalt  }
0x40: {  	_ =	shalt  }
0x41: {  	_ =	shalt  }
0x42: {  	_ =	shalt  }
0x43: {  	_ =	shalt  }
0x44: {  	_ =	shalt  }
0x45: {  	_ =	shalt  }
0x46: {  	_ =	shalt  }
0x47: {  	_ =	shalt  }
0x48: {  	_ =	shalt  }
0x49: {  	_ =	shalt  }
0x4a: {  	_ =	shalt  }
0x4b: {  	_ =	shalt  }
0x4c: {  	_ =	shalt  }
0x4d: {  	_ =	shalt  }
0x4e: {  	_ =	shalt  }
0x4f: {  	_ =	shalt  }
0x50: {  	_ =	shalt  }
0x51: {  	_ =	shalt  }
0x52: {  	_ =	shalt  }
0x53: {  	_ =	shalt  }
0x54: {  	_ =	shalt  }
0x55: {  	_ =	shalt  }
0x56: {  	_ =	shalt  }
0x57: {  	_ =	shalt  }
0x58: {  	_ =	shalt  }
0x59: {  	_ =	shalt  }
0x5a: {  	_ =	shalt  }
0x5b: {  	_ =	shalt  }
0x5c: {  	_ =	shalt  }
0x5d: {  	_ =	shalt  }
0x5e: {  	_ =	shalt  }
0x5f: {  	_ =	shalt  }
0x60: {  	_ =	shalt  }
0x61: {  	_ =	shalt  }
0x62: {  	_ =	shalt  }
0x63: {  	_ =	shalt  }
0x64: {  	_ =	shalt  }
0x65: {  	_ =	shalt  }
0x66: {  	_ =	shalt  }
0x67: {  	_ =	shalt  }
0x68: {  	_ =	shalt  }
0x69: {  	_ =	shalt  }
0x6a: {  	_ =	shalt  }
0x6b: {  	_ =	shalt  }
0x6c: {  	_ =	shalt  }
0x6d: {  	_ =	shalt  }
0x6e: {  	_ =	shalt  }
0x6f: {  	_ =	shalt  }
0x70: {  	_ =	shalt  }
0x71: {  	_ =	shalt  }
0x72: {  	_ =	shalt  }
0x73: {  	_ =	shalt  }
0x74: {  	_ =	shalt  }
0x75: {  	_ =	shalt  }
0x76: {  	_ =	shalt  }
0x77: {  	_ =	shalt  }
0x78: {  	_ =	shalt  }
0x79: {  	_ =	shalt  }
0x7a: {  	_ =	shalt  }
0x7b: {  	_ =	shalt  }
0x7c: {  	_ =	shalt  }
0x7d: {  	_ =	shalt  }
0x7e: {  	_ =	shalt  }
0x7f: {  	_ =	shalt  }
0x80: {  	_ =	shalt  }
0x81: {  	_ =	shalt  }
0x82: {  	_ =	shalt  }
0x83: {  	_ =	shalt  }
0x84: {  	_ =	shalt  }
0x85: {  	_ =	shalt  }
0x86: {  	_ =	shalt  }
0x87: {  	_ =	shalt  }
.Lfunc_end0:
.L_simem_size_0:
called_computation_lowered:
.L_overlay_start_0:
0x88: {  	s2 =	sld [smem:$0x3FD9]  }
0x89: {  	s3 =	sld [smem:$0x3FFE];
	_ =	sdelay $0x1  }
0x8a: {  	s1 =	srdreg.scid  }
0x8b: {  	s0 =	sand.u32 $0x1, s1  }
0x8c: {  	s17 =	sshll.u32 s0, $0xA;
	s2 =	sadd.s32 s3, s2  }
0x8d: {  	s2 =	sadd.s32 s2, s17  }
0x8e: {  	[smem:$0x3FBE] =	sst s2  }
0x8f: {  	_ = 	snop  }
0x90: {  	s2 =	sld [smem:$0x3FC1]  }
0x91: {  	s18 =	sld [smem:$0x3FD0];
	(tm) =	ssettm $0x1  }
0x92: {  	s4 =	sld [smem:$0x3FFB];
	_ =	sdelay $0x3  }
0x93: {  	_ =	strace s4  }
0x94: {  	s4 =	sld [smem:$0x3FFC];
	_ =	sdelay $0x3  }
0x95: {  	_ =	strace s4  }
0x96: {  	s4 =	sld [smem:$0x3FFD];
	_ =	sdelay $0x3  }
0x97: {  	_ =	strace s4  }
0x98: {  	_ =	strace $0x8FFFFFFF  }
0x99: {  	s19 =	sld [smem:$0x3FDB];
	_ =	sdelay $0x1  }
0x9a: {  	s5 =	simm.s32 $_scs_section_size  }
0x9b: {  	s6 =	simm.s32 $_size__tile_overlayer_lowered;
	s7 =	simm.s32 $_tile_overlayer_lowered  }
0x9c: {  	s22 =	simm.s32 $0x1BFF;
	s21 =	sshll.u32 s7, $0x1;
	s4 =	sadd.s32 s5, s19  }
0x9d: {  	s8 =	simm.s32 $0x0;
	s20 =	sshll.u32 s6, $0x1;
	s6 =	sadd.s32 s21, s4  }
0x9e: {  	[timem:s8], [sflag:s22] =	dma.local [hbm:s6], s20  }
0x9f: {  	_ =	swait.ge [sflag:s22], s20  }
0xa0: {  	s5 =	ssub.s32 $0x0, s20;
	[sflag:s22] =	ssyncset.done $0x0  }
0xa1: {  	[sflag:s22] =	ssyncadd.s32 s5;
	_ =	sdelay $0x1  }
0xa2: {  	s23 =	simm.s32 $0x1B8B  }
0xa3: {  	_ =	swait.ge [sflag:s23], $0x1  }
0xa4: {  	[sflag:s23] =	ssyncset.done $0x0  }
0xa5: {  	s25 =	simm.s32 $0x1B8E;
	s24 =	sld [smem:$0x3FFE];
	[sflag:s23] =	ssyncadd.s32 $0xFFFFFFFF  }
0xa6: {  	s26 =	simm.s32 $execute0_lowered;
	[smem:$0x3FD2] =	sst s25  }
0xa7: {  	s6 =	sshll.u32 s26, $0x1;
	_ =	strace $0x80000046;
	[dreg:$0x1] =	wrdreg $0xFFFFFFFF  }
0xa8: {  	s28 =	simm.s32 $_size_execute0_lowered;
	s4 =	sadd.s32 s4, s6;
	[dreg:$0x0] =	wrdreg $0x0  }
0xa9: {  	s6 =	sshll.u32 s28, $0x1;
	[dreg:$0x2] =	wrdreg s4  }
0xaa: {  	[dreg:$0x3] =	wrdreg s6  }
0xab: {  	[dreg:$0x4] =	wrdreg $0xC0  }
0xac: {  	_ =	task [dreg:s8], $0x5FFFF  }
0xad: {  	[dreg:$0x1] =	wrdreg $0xFFFFFFFF  }
0xae: {  	[dreg:$0x0] =	wrdreg $0x60  }
0xaf: {  	[dreg:$0x2] =	wrdreg s24  }
0xb0: {  	[dreg:$0x3] =	wrdreg s2  }
0xb1: {  	[dreg:$0x4] =	wrdreg s18  }
0xb2: {  	[dreg:$0x5] =	wrdreg $0x9  }
0xb3: {  	_ =	task.clear_ibuf [dreg:s8], $0x6FFFF;
	_ =	strace $0x90000046  }
0xb4: {  	s29 =	simm.s32 $0x9;
	_ =	strace $0x80000048  }
0xb5: {  	_ =	swait.ge [sflag:s29], $0x1  }
0xb6: {  	[sflag:s29] =	ssyncadd.s32 $0xFFFFFFFF  }
0xb7: {  	_ =	strace $0x90000048  }
0xb8: {  	_ =	sfence  }
0xb9: {  	s30 =	sld [smem:$0x0];
	_ =	sdelay $0x2  }
0xba: {  	s31 =	sshll.u32 s1, $0xD;
	s1 =	sshrl.u32 s1, $0x2  }
0xbb: {  	s3 =	sand.u32 $0x4000, s31;
	s1 =	sadd.s32 s1, s30  }
0xbc: {  	s0 =	sor.u32 s3, s0;
	s1 =	sshll.u32 s1, $0x11  }
0xbd: {  	s0 =	sor.u32 s1, s0  }
0xbe: {  	s0 =	sadd.s32 $0x8F2B, s0  }
0xbf: {  	[sflag:s0] =	ssyncadd.remote.s32 $0x1  }
0xc0: {  	_ =	sfence.sel $0xFFFF  }
0xc1: {  	[dreg:$0x0] =	wrdreg $0xFFFFFFFF;
	(pc) =	sbr.abs _section_cstart, $3  }
0xc2: {  	[dreg:$0x1] =	wrdreg $0xFFFFFFFF  }
0xc3: {  	_ =	task.clear_ibuf [dreg:s8], $0x2FFFF;
	_ =	strace $0x9FFFFFFF  }
0xc4: {  	(tm) =	ssettm $0x7FFFFFFF  }
0xc5: {  	_ =	shalt  }
tec
execute0_lowered:
.L_overlay_start_1:
0x0: {  	(tag) =	ssettag $0x1  }
0x1: {  	s0 =	srdreg.scid  }
0x2: {  	s5 =	sand.u32 $0x1, s0;
	s0 =	stileid.u32  }
0x3: {  	s6 =	sshll.u32 s0, $0x1;
	s7 =	ssub.s32 $0x0, s5  }
0x4: {  	p0 =	sne.s32 s6, s7  }
.Ltmp0:
0x5: {  	_ = 	snop;
	(pc) =	sbr.rel @p0 .LBB2_3-.Ltmp0, $4  }
0x6: {  	s4 =	rddreg [dreg:$0x0]  }
0x7: {  	s2 =	rddreg [dreg:$0x1]  }
0x8: {  	s3 =	rddreg [dreg:$0x2]  }
0x9: {  	s1 =	rddreg [dreg:$0x3];
	_ =	strace $0x80000047  }
0xa: {  	s7 =	ssub.s32 $0x2, s5;
	s4 =	sadd.s32 $0x2200, s4;
	s5 =	sadd.s32 $0x100, s2  }
0xb: {  	s6 =	sadd.s32 $0x200, s2;
	s9 =	simm.s32 $0x0;
	s10 =	simm.s32 $0x2  }
0xc: {  	s11 =	simm.s32 $0x80;
	s12 =	simm.s32 $0x880;
	s13 =	simm.s32 $0x1080  }
0xd: {  	s14 =	simm.s32 $0x1880;
	s15 =	simm.s32 $0x2080;
	s16 =	simm.s32 $0x2880  }
0xe: {  	s17 =	simm.s32 $0x3080;
	s18 =	simm.s32 $0x3880;
	s19 =	simm.s32 $0x4080  }
0xf: {  	s20 =	simm.s32 $0x4880;
	s21 =	simm.s32 $0x5080;
	s22 =	simm.s32 $0x5880  }
0x10: {  	v2 =	vlaneseq.u32;
	s23 =	simm.s32 $0x6080;
	s24 =	simm.s32 $0x6880;
	s8 =	sshrl.u32 s7, $0x1  }
0x11: {  	vm0 =	vmmov $0xffff;
	s25 =	simm.s32 $0x7080;
	s26 =	simm.s32 $0x7880;
	v1 =	vshrl.u32 v2, $0x3;
	s8 =	ssub.s32 s7, s8  }
0x12: {  	s28 =	simm.s32 $0x1;
	v0 =	vand.u32 $0x7, v2;
	v2 =	vor.u32 $0x8, v2;
	s7 =	sadd.s32 $0x300, s2;
	v1 =	vmul.u32 $0x8, v1;
	s8 =	smax.u32 s8, $0x1  }
.LBB2_2:
0x13: {  	[tilespmem:s9], [sflag:$0x2] =	stream.linear.gather [hbm4b:s4+s9], $0x80, $0x38;
	[tilespmem:$0x8080] =	vst v63  }
0x14: {  	_ =	swait.ge [sflag:s10], $0x80  }
0x15: {  	[sflag:s10] =	ssyncset.done $0x0  }
0x16: {  	[sflag:s10] =	ssyncadd.s32 $0xFFFFFF80  }
0x17: {  	v3 =	vld [tilespmem:$0x0];
	_ =	sdelay $0x4  }
0x18: {  	v4 =	vshll.u32 v3, $0x3  }
0x19: {  	v3 =	vand.u32 $0x7, v3;
	v4 =	vand.u32 $0xFFFFFFC0, v4  }
0x1a: {  	v3 =	vor.u32 v3, v4  }
0x1b: {  	v4 =	vperm.xlane v3, v0;
	_ =	sdelay $0x1  }
0x1c: {  	v4 =	vadd.s32 v1, v4;
	_ =	sdelay $0x4  }
0x1d: {  	[tilespmem:s11], [sflag:$0x1] =	stream.indirect_vreg.gather [hbm4b:s2+s9], $0x80, v4, vm0, $0xb8;
	[tilespmem:$0x8080] =	vst v63  }
0x1e: {  	v3 =	vperm.xlane v3, v2  }
0x1f: {  	[tilespmem:s12], [sflag:$0x1] =	stream.indirect_vreg.gather [hbm4b:s5+s9], $0x80, v4, vm0, $0xb8;
	[tilespmem:$0x8080] =	vst v63  }
0x20: {  	v3 =	vadd.s32 v1, v3  }
0x21: {  	[tilespmem:s13], [sflag:$0x1] =	stream.indirect_vreg.gather [hbm4b:s6+s9], $0x80, v4, vm0, $0xb8;
	[tilespmem:$0x8080] =	vst v63  }
0x22: {  	_ = 	snop  }
0x23: {  	[tilespmem:s14], [sflag:$0x1] =	stream.indirect_vreg.gather [hbm4b:s7+s9], $0x80, v4, vm0, $0xb8;
	[tilespmem:$0x8080] =	vst v63  }
0x24: {  	_ = 	snop  }
0x25: {  	[tilespmem:s15], [sflag:$0x1] =	stream.indirect_vreg.gather [hbm4b:s2+s9], $0x80, v3, vm0, $0xb8;
	[tilespmem:$0x8080] =	vst v63  }
0x26: {  	_ = 	snop  }
0x27: {  	[tilespmem:s16], [sflag:$0x1] =	stream.indirect_vreg.gather [hbm4b:s5+s9], $0x80, v3, vm0, $0xb8;
	[tilespmem:$0x8080] =	vst v63  }
0x28: {  	_ = 	snop  }
0x29: {  	[tilespmem:s17], [sflag:$0x1] =	stream.indirect_vreg.gather [hbm4b:s6+s9], $0x80, v3, vm0, $0xb8;
	[tilespmem:$0x8080] =	vst v63  }
0x2a: {  	_ = 	snop  }
0x2b: {  	[tilespmem:s18], [sflag:$0x1] =	stream.indirect_vreg.gather [hbm4b:s7+s9], $0x80, v3, vm0, $0xb8;
	[tilespmem:$0x8080] =	vst v63  }
0x2c: {  	v3 =	vld [tilespmem:$0x10];
	_ =	sdelay $0x4  }
0x2d: {  	v63 =	vshll.u32 v3, $0x3  }
0x2e: {  	v3 =	vand.u32 $0x7, v3;
	v4 =	vand.u32 $0xFFFFFFC0, v63  }
0x2f: {  	v3 =	vor.u32 v3, v4  }
0x30: {  	v4 =	vperm.xlane v3, v0;
	_ =	sdelay $0x1  }
0x31: {  	v4 =	vadd.s32 v1, v4;
	_ =	sdelay $0x4  }
0x32: {  	[tilespmem:s19], [sflag:$0x1] =	stream.indirect_vreg.gather [hbm4b:s2+s9], $0x80, v4, vm0, $0xb8;
	[tilespmem:$0x8080] =	vst v63  }
0x33: {  	v3 =	vperm.xlane v3, v2  }
0x34: {  	[tilespmem:s20], [sflag:$0x1] =	stream.indirect_vreg.gather [hbm4b:s5+s9], $0x80, v4, vm0, $0xb8;
	[tilespmem:$0x8080] =	vst v63  }
0x35: {  	v3 =	vadd.s32 v1, v3  }
0x36: {  	[tilespmem:s21], [sflag:$0x1] =	stream.indirect_vreg.gather [hbm4b:s6+s9], $0x80, v4, vm0, $0xb8;
	[tilespmem:$0x8080] =	vst v63  }
0x37: {  	_ = 	snop  }
0x38: {  	[tilespmem:s22], [sflag:$0x1] =	stream.indirect_vreg.gather [hbm4b:s7+s9], $0x80, v4, vm0, $0xb8;
	[tilespmem:$0x8080] =	vst v63  }
0x39: {  	_ = 	snop  }
0x3a: {  	[tilespmem:s23], [sflag:$0x1] =	stream.indirect_vreg.gather [hbm4b:s2+s9], $0x80, v3, vm0, $0xb8;
	[tilespmem:$0x8080] =	vst v63  }
0x3b: {  	_ = 	snop  }
0x3c: {  	[tilespmem:s24], [sflag:$0x1] =	stream.indirect_vreg.gather [hbm4b:s5+s9], $0x80, v3, vm0, $0xb8;
	[tilespmem:$0x8080] =	vst v63  }
0x3d: {  	_ = 	snop  }
0x3e: {  	[tilespmem:s25], [sflag:$0x1] =	stream.indirect_vreg.gather [hbm4b:s6+s9], $0x80, v3, vm0, $0xb8;
	[tilespmem:$0x8080] =	vst v63  }
0x3f: {  	_ = 	snop  }
0x40: {  	[tilespmem:s26], [sflag:$0x1] =	stream.indirect_vreg.gather [hbm4b:s7+s9], $0x80, v3, vm0, $0xb8;
	[tilespmem:$0x8080] =	vst v63  }
0x41: {  	_ =	swait.ge [sflag:s28], $0x8000  }
0x42: {  	p0 =	sne.s32 s8, $0x1;
	[sflag:s28] =	ssyncset.done $0x0  }
.Ltmp1:
0x43: {  	[sflag:s28] =	ssyncadd.s32 $0xFFFF8000;
	(pc) =	sbr.rel @p0 .LBB2_2-.Ltmp1, $4  }
0x44: {  	[hbm4b:s3+s9] =	stream.linear.scatter [tilespmem:s11], [sflag:$0x2], $0x8000, $0x38;
	[tilespmem:$0x8080] =	vst v63  }
0x45: {  	_ =	swait.ge [sflag:s10], $0x8000  }
0x46: {  	[sflag:s10] =	ssyncset.done $0x0  }
0x47: {  	s8 =	sadd.s32 $0xFFFFFFFF, s8;
	[sflag:s10] =	ssyncadd.s32 $0xFFFF8000  }
.LBB2_3:
0x48: {  	_ =	sfence.sel $0x180000  }
0x49: {  	[bflag:$0x0] =	sbarrier.arrive $0xFFFF  }
0x4a: {  	p0 =	sne.s32 s0, $0x0;
	_ =	strace $0x90000047  }
0x4b: {  	s0 =	sadd.s32 @!p0 $0x100000, s1;
	[bflag:$0x2] =	sbarrier.arrive $0xFFFF  }
0x4c: {  	[sflag:s0] =	ssyncadd.tile.s32 @!p0 $0x1;
	_ =	shalt  }
.Lfunc_end2:
_tile_overlayer_lowered:
.L_overlay_start_2:
0x4d: {  	(tag) =	ssettag $0x2  }
0x4e: {  	s0 =	rddreg [dreg:$0x0];
	s2 =	stileid.u32  }
0x4f: {  	s1 =	rddreg [dreg:$0x1];
	p0 =	sne.s32 s2, $0x0  }
0x50: {  	s3 =	rddreg [dreg:$0x2];
	[bflag:$0x3] =	sbarrier.arrive $0xFFFF;
	s2 =	simm.s32 @!p0 $0x1C02  }
0x51: {  	[timem:s3], [sflag:s2] =	dma.local @!p0 [hbm:s0], s1  }
0x52: {  	s0 =	simm.s32 @!p0 $0x2  }
0x53: {  	_ =	swait.ge @!p0 [sflag:s0], s1  }
0x54: {  	s1 =	ssub.s32 @!p0 $0x0, s1;
	[sflag:s0] =	ssyncset.done @!p0 $0x0  }
0x55: {  	[sflag:s0] =	ssyncadd.s32 @!p0 s1  }
0x56: {  	[bflag:$0x3] =	sbarrier.arrive $0xFFFF  }
0x57: {  	_ =	shalt  }

</sc_bundles>
